<compile_context>
chip_gen: v7x
topology: tpu7x:2x2x1
jax: 0.10.2.dev20260603
libtpu: 0.0.44.dev20260713+nightly
codegen_flags: <defaults>
</compile_context>

<pallas_src>
import functools

import jax
import jax.numpy as jnp
from jax import lax
from jax.experimental import pallas as pl
from jax.experimental.pallas import tpu as pltpu
from jax.experimental.pallas import tpu_sc as plsc

N = 10000
D = 64
S = 2000
ES = 12800

S_PAD = 2048
NW = 32
S_PER_W = S_PAD // NW
E_PER_W = ES // NW
LANES = 16

BLK = 256
EPS = 1e-6


def _sc_gather_body(z_hbm, beta_hbm, sidx_hbm, ei_hbm, ej_hbm,
                    zs_hbm, zi_hbm, zj_hbm, bs_hbm, bi_hbm, bj_hbm,
                    idx_s, idx_i, idx_j, rows_s, rows_i, rows_j,
                    bv_s, bv_i, bv_j, sem, bsem):
    wid = lax.axis_index("s") * 2 + lax.axis_index("c")

    def gather_rows(idx_hbm, idx_v, rows_v, out_hbm, bv_v, b_out_hbm, per):
        base = wid * per
        pltpu.sync_copy(idx_hbm.at[pl.ds(base, per)], idx_v)
        zcopy = pltpu.async_copy(z_hbm.at[idx_v], rows_v, sem)
        bcopy = pltpu.async_copy(beta_hbm.at[idx_v], bv_v, bsem)
        zcopy.wait()
        pltpu.sync_copy(rows_v, out_hbm.at[pl.ds(base, per)])
        bcopy.wait()
        pltpu.sync_copy(bv_v, b_out_hbm.at[pl.ds(base, per)])

    gather_rows(sidx_hbm, idx_s, rows_s, zs_hbm, bv_s, bs_hbm, S_PER_W)
    gather_rows(ei_hbm, idx_i, rows_i, zi_hbm, bv_i, bi_hbm, E_PER_W)
    gather_rows(ej_hbm, idx_j, rows_j, zj_hbm, bv_j, bj_hbm, E_PER_W)

@functools.partial(jax.jit, static_argnames=())
def _sc_gather(latent_Z, beta2d, sidx_pad, ei, ej):
    mesh = plsc.VectorSubcoreMesh(core_axis_name="c", subcore_axis_name="s")
    f32 = jnp.float32
    out_type = (
        jax.ShapeDtypeStruct((S_PAD, D), f32),
        jax.ShapeDtypeStruct((ES, D), f32),
        jax.ShapeDtypeStruct((ES, D), f32),
        jax.ShapeDtypeStruct((S_PAD, 1), f32),
        jax.ShapeDtypeStruct((ES, 1), f32),
        jax.ShapeDtypeStruct((ES, 1), f32),
    )
    scratch = [
        pltpu.VMEM((S_PER_W,), jnp.int32),
        pltpu.VMEM((E_PER_W,), jnp.int32),
        pltpu.VMEM((E_PER_W,), jnp.int32),
        pltpu.VMEM((S_PER_W, D), f32),
        pltpu.VMEM((E_PER_W, D), f32),
        pltpu.VMEM((E_PER_W, D), f32),
        pltpu.VMEM((S_PER_W, 1), f32),
        pltpu.VMEM((E_PER_W, 1), f32),
        pltpu.VMEM((E_PER_W, 1), f32),
        pltpu.SemaphoreType.DMA,
        pltpu.SemaphoreType.DMA,
    ]
    k = pl.kernel(_sc_gather_body, out_type=out_type, mesh=mesh,
                  scratch_types=scratch,
                  compiler_params=pltpu.CompilerParams(
                      use_tc_tiling_on_sc=False))
    return k(latent_Z, beta2d, sidx_pad, ei, ej)


def _dense_body(zr_ref, zc_ref, br_ref, bc_ref, out_ref):
    i = pl.program_id(0)
    j = pl.program_id(1)

    @pl.when((i == 0) & (j == 0))
    def _():
        out_ref[...] = jnp.zeros((1, 1), jnp.float32)

    zr = zr_ref[...]
    zc = zc_ref[...]
    g = lax.dot_general(zr, zc, (((1,), (1,)), ((), ())),
                        preferred_element_type=jnp.float32)
    nr = jnp.sum(zr * zr, axis=1, keepdims=True)
    sr = jnp.sum(zr, axis=1, keepdims=True)
    ones_row = jnp.ones((1, D), dtype=jnp.float32)
    nc = lax.dot_general(ones_row, zc * zc, (((1,), (1,)), ((), ())),
                         preferred_element_type=jnp.float32)
    sc = lax.dot_general(ones_row, zc, (((1,), (1,)), ((), ())),
                         preferred_element_type=jnp.float32)

    d2 = nr + nc - 2.0 * g + (2.0 * EPS) * (sr - sc) + (D * EPS * EPS)
    d2 = jnp.maximum(d2, 0.0)
    mat = jnp.exp(br_ref[...] + bc_ref[...] - jnp.sqrt(d2))

    ri = i * BLK + lax.broadcasted_iota(jnp.int32, (BLK, BLK), 0)
    ci = j * BLK + lax.broadcasted_iota(jnp.int32, (BLK, BLK), 1)
    mask = (ri < S) & (ci < S) & (ri != ci)
    out_ref[...] += jnp.sum(jnp.where(mask, mat, 0.0),
                            axis=(0, 1), keepdims=True)


def _dense_sum(zs, bs):
    nblk = S_PAD // BLK
    br = bs
    bc = bs.reshape(1, S_PAD)
    return pl.pallas_call(
        _dense_body,
        grid=(nblk, nblk),
        in_specs=[
            pl.BlockSpec((BLK, D), lambda i, j: (i, 0)),
            pl.BlockSpec((BLK, D), lambda i, j: (j, 0)),
            pl.BlockSpec((BLK, 1), lambda i, j: (i, 0)),
            pl.BlockSpec((1, BLK), lambda i, j: (0, j)),
        ],
        out_specs=pl.BlockSpec((1, 1), lambda i, j: (0, 0)),
        out_shape=jax.ShapeDtypeStruct((1, 1), jnp.float32),
    )(zs, zs, br, bc)


def _edges_body(zi_ref, zj_ref, bi_ref, bj_ref, out_ref):
    diff = zi_ref[...] - zj_ref[...] + EPS
    d2 = jnp.sum(diff * diff, axis=1, keepdims=True)
    dist = jnp.sqrt(d2)
    out_ref[...] = jnp.sum(bi_ref[...] + bj_ref[...] - dist,
                           axis=(0, 1), keepdims=True)


def _edges_sum(zi, zj, bi, bj):
    return pl.pallas_call(
        _edges_body,
        out_shape=jax.ShapeDtypeStruct((1, 1), jnp.float32),
    )(zi, zj, bi, bj)


def kernel(beta, latent_Z, sample_idx, sparse_sample_i, sparse_sample_j):
    sidx = sample_idx.astype(jnp.int32)
    ei = sparse_sample_i.astype(jnp.int32)
    ej = sparse_sample_j.astype(jnp.int32)
    sidx_pad = jnp.concatenate(
        [sidx, jnp.zeros((S_PAD - S,), dtype=jnp.int32)])

    zs, zi, zj, bs, bi, bj = _sc_gather(latent_Z, beta.reshape(N, 1),
                                        sidx_pad, ei, ej)

    offdiag = _dense_sum(zs, bs)
    e2 = jnp.exp(jnp.float32(1.0)) ** 2
    z1 = 0.5 * e2 * offdiag
    z2 = _edges_sum(zi, zj, bi, bj)
    return z2 - z1

# --- scband reference (transcript-rebuilt; emitter-appended) ---
"""Pipeline reference for scband-lsm-48558900249084 (READ-ONLY COPY).

The authoritative reference and input builder live on the scoring server;
editing this copy changes nothing except your own understanding.
"""

import jax, jax.numpy as jnp
import numpy as np

N = 10000
D = 64
S = 2000
ES = 12800

def setup_inputs(seed: int = 0) -> dict:
    key = jax.random.key(seed)
    k1, k2, k3, k4, k5 = jax.random.split(key, 5)
    beta = jax.random.normal(k1, (N,), dtype=jnp.float32)
    latent_Z = jax.random.normal(k2, (N, D), dtype=jnp.float32)
    # sample_idx: result of torch.multinomial without replacement over N nodes
    sample_idx = jax.random.permutation(k3, N)[:S]
    # sparse_sample_i/j: edges of the induced subgraph on sampled nodes (global node ids)
    sparse_sample_i = jax.random.randint(k4, (ES,), 0, N)
    sparse_sample_j = jax.random.randint(k5, (ES,), 0, N)
    return {
        "beta": beta,
        "latent_Z": latent_Z,
        "sample_idx": sample_idx,
        "sparse_sample_i": sparse_sample_i,
        "sparse_sample_j": sparse_sample_j,
    }

def reference(beta, latent_Z, sample_idx, sparse_sample_i, sparse_sample_j):
    # beta[sample_idx].unsqueeze(1) + beta[sample_idx]
    b = jnp.take(beta, sample_idx, axis=0)
    beta_mat = b[:, None] + b[None, :]
    Zs = jnp.take(latent_Z, sample_idx, axis=0)
    diff = Zs[:, None, :] - Zs[None, :, :] + 1e-06
    dist = jnp.sum(diff ** 2, axis=-1) ** 0.5
    mat = jnp.exp(beta_mat - dist)
    e_row = jnp.exp(jnp.ones((sample_idx.shape[0],), dtype=beta.dtype))
    mat_offdiag = mat - jnp.diag(jnp.diagonal(mat))
    z_pdist1 = 0.5 * jnp.matmul(e_row[None, :], jnp.matmul(mat_offdiag, e_row[:, None]))
    bi = jnp.take(beta, sparse_sample_i, axis=0)
    bj = jnp.take(beta, sparse_sample_j, axis=0)
    Zi = jnp.take(latent_Z, sparse_sample_i, axis=0)
    Zj = jnp.take(latent_Z, sparse_sample_j, axis=0)
    dist2 = jnp.sum((Zi - Zj + 1e-06) ** 2, axis=-1) ** 0.5
    z_pdist2 = jnp.sum(bi + bj - dist2)
    log_likelihood_sparse = z_pdist2 - z_pdist1
    return log_likelihood_sparse

if __name__ == "__main__":
    import jax
    _d = setup_inputs()
    print(jax.jit(kernel)(*tuple(_d.values())))

</pallas_src>

<mosaic_0001>
#map = affine_map<(d0, d1) -> (0, 0)>
#map1 = affine_map<(d0, d1) -> (0)>
module attributes {stable_mosaic.version = 14 : i64} {
  func.func @_sc_gather_body(%arg0: i32, %arg1: i32, %arg2: memref<10000x64xf32, #tpu.memory_space<hbm>>, %arg3: memref<10000x1xf32, #tpu.memory_space<hbm>>, %arg4: memref<2048xi32, #tpu.memory_space<hbm>>, %arg5: memref<12800xi32, #tpu.memory_space<hbm>>, %arg6: memref<12800xi32, #tpu.memory_space<hbm>>, %arg7: memref<2048x64xf32, #tpu.memory_space<hbm>>, %arg8: memref<12800x64xf32, #tpu.memory_space<hbm>>, %arg9: memref<12800x64xf32, #tpu.memory_space<hbm>>, %arg10: memref<2048x1xf32, #tpu.memory_space<hbm>>, %arg11: memref<12800x1xf32, #tpu.memory_space<hbm>>, %arg12: memref<12800x1xf32, #tpu.memory_space<hbm>>, %arg13: memref<64xi32, #tpu.memory_space<vmem>>, %arg14: memref<400xi32, #tpu.memory_space<vmem>>, %arg15: memref<400xi32, #tpu.memory_space<vmem>>, %arg16: memref<64x64xf32, #tpu.memory_space<vmem>>, %arg17: memref<400x64xf32, #tpu.memory_space<vmem>>, %arg18: memref<400x64xf32, #tpu.memory_space<vmem>>, %arg19: memref<64x1xf32, #tpu.memory_space<vmem>>, %arg20: memref<400x1xf32, #tpu.memory_space<vmem>>, %arg21: memref<400x1xf32, #tpu.memory_space<vmem>>, %arg22: memref<!tpu.dma_semaphore, #tpu.memory_space<semaphore_mem>>, %arg23: memref<!tpu.dma_semaphore, #tpu.memory_space<semaphore_mem>>) attributes {dimension_semantics = [#tpu.dimension_semantics<core_parallel>, #tpu.dimension_semantics<subcore_parallel>], iteration_bounds = array<i64: 2, 16>, scalar_prefetch = 0 : i64, scratch_operands = 11 : i64, tpu.core_type = #tpu.core_type<sc_vector_subcore>, window_params = [{transform_indices = #map}, {transform_indices = #map}, {transform_indices = #map1}, {transform_indices = #map1}, {transform_indices = #map1}, {transform_indices = #map}, {transform_indices = #map}, {transform_indices = #map}, {transform_indices = #map}, {transform_indices = #map}, {transform_indices = #map}]} {
    %mul3A = arith.constant 2 : i32
    %mul3A_0 = arith.muli %arg1, %mul3A : i32
    %add3A = arith.addi %mul3A_0, %arg0 : i32
    %mul3A_1 = arith.constant 64 : i32
    %mul3A_2 = arith.muli %add3A, %mul3A_1 : i32
    "tpu.region"() ({
      %run_scoped3A = tpu.sem_alloc : memref<!tpu.dma_semaphore, #tpu.memory_space<semaphore_mem>>
      %dma_start3A_41 = tpu.memref_slice %arg4[%mul3A_2] : memref<2048xi32, #tpu.memory_space<hbm>> -> memref<64xi32, #tpu.memory_space<hbm>>
      %dma_start3A_42 = tpu.memref_slice %arg4[%mul3A_2] : memref<2048xi32, #tpu.memory_space<hbm>> -> memref<64xi32, #tpu.memory_space<hbm>>
      tpu.enqueue_dma source(%dma_start3A_42 : memref<64xi32, #tpu.memory_space<hbm>>) target(%arg13 : memref<64xi32, #tpu.memory_space<vmem>>) target_semaphore(%run_scoped3A : memref<!tpu.dma_semaphore, #tpu.memory_space<semaphore_mem>>)
      %dma_wait3A_43 = tpu.memref_slice %arg4[%mul3A_2] : memref<2048xi32, #tpu.memory_space<hbm>> -> memref<64xi32, #tpu.memory_space<hbm>>
      %dma_wait3A_44 = tpu.memref_slice %arg4[%mul3A_2] : memref<2048xi32, #tpu.memory_space<hbm>> -> memref<64xi32, #tpu.memory_space<hbm>>
      tpu.wait_dma2 semaphore(%run_scoped3A : memref<!tpu.dma_semaphore, #tpu.memory_space<semaphore_mem>>) src(%dma_wait3A_44 : memref<64xi32, #tpu.memory_space<hbm>>) dst(%arg13 : memref<64xi32, #tpu.memory_space<vmem>>)
      tpu.yield
    }) : () -> ()
    %dma_start3A = arith.constant 0 : i32
    %dma_start3A_3 = arith.constant 0 : i32
    %dma_start3A_4 = tpu.memref_slice %arg2[%dma_start3A, %dma_start3A_3] : memref<10000x64xf32, #tpu.memory_space<hbm>> -> memref<10000x64xf32, #tpu.memory_space<hbm>>
    tpu.enqueue_indirect_dma source(%dma_start3A_4 : memref<10000x64xf32, #tpu.memory_space<hbm>>) target(%arg16 : memref<64x64xf32, #tpu.memory_space<vmem>>) offsets(%arg13 : memref<64xi32, #tpu.memory_space<vmem>>) semaphore(%arg22 : memref<!tpu.dma_semaphore, #tpu.memory_space<semaphore_mem>>)
    %dma_start3A_5 = arith.constant 0 : i32
    %dma_start3A_6 = arith.constant 0 : i32
    %dma_start3A_7 = tpu.memref_slice %arg3[%dma_start3A_5, %dma_start3A_6] : memref<10000x1xf32, #tpu.memory_space<hbm>> -> memref<10000x1xf32, #tpu.memory_space<hbm>>
    tpu.enqueue_indirect_dma source(%dma_start3A_7 : memref<10000x1xf32, #tpu.memory_space<hbm>>) target(%arg19 : memref<64x1xf32, #tpu.memory_space<vmem>>) offsets(%arg13 : memref<64xi32, #tpu.memory_space<vmem>>) semaphore(%arg23 : memref<!tpu.dma_semaphore, #tpu.memory_space<semaphore_mem>>)
    %dma_wait3A = arith.constant 0 : i32
    %dma_wait3A_8 = arith.constant 0 : i32
    %dma_wait3A_9 = tpu.memref_slice %arg2[%dma_wait3A, %dma_wait3A_8] : memref<10000x64xf32, #tpu.memory_space<hbm>> -> memref<10000x64xf32, #tpu.memory_space<hbm>>
    tpu.wait_indirect_dma semaphore(%arg22 : memref<!tpu.dma_semaphore, #tpu.memory_space<semaphore_mem>>) src(%dma_wait3A_9 : memref<10000x64xf32, #tpu.memory_space<hbm>>) dst(%arg16 : memref<64x64xf32, #tpu.memory_space<vmem>>)
    "tpu.region"() ({
      %run_scoped3A = tpu.sem_alloc : memref<!tpu.dma_semaphore, #tpu.memory_space<semaphore_mem>>
      %dma_start3A_41 = arith.constant 0 : i32
      %dma_start3A_42 = tpu.memref_slice %arg7[%mul3A_2, %dma_start3A_41] : memref<2048x64xf32, #tpu.memory_space<hbm>> -> memref<64x64xf32, #tpu.memory_space<hbm>>
      %dma_start3A_43 = arith.constant 0 : i32
      %dma_start3A_44 = tpu.memref_slice %arg7[%mul3A_2, %dma_start3A_43] : memref<2048x64xf32, #tpu.memory_space<hbm>> -> memref<64x64xf32, #tpu.memory_space<hbm>>
      tpu.enqueue_dma source(%arg16 : memref<64x64xf32, #tpu.memory_space<vmem>>) target(%dma_start3A_44 : memref<64x64xf32, #tpu.memory_space<hbm>>) target_semaphore(%run_scoped3A : memref<!tpu.dma_semaphore, #tpu.memory_space<semaphore_mem>>)
      %dma_wait3A_45 = arith.constant 0 : i32
      %dma_wait3A_46 = tpu.memref_slice %arg7[%mul3A_2, %dma_wait3A_45] : memref<2048x64xf32, #tpu.memory_space<hbm>> -> memref<64x64xf32, #tpu.memory_space<hbm>>
      %dma_wait3A_47 = arith.constant 0 : i32
      %dma_wait3A_48 = tpu.memref_slice %arg7[%mul3A_2, %dma_wait3A_47] : memref<2048x64xf32, #tpu.memory_space<hbm>> -> memref<64x64xf32, #tpu.memory_space<hbm>>
      tpu.wait_dma2 semaphore(%run_scoped3A : memref<!tpu.dma_semaphore, #tpu.memory_space<semaphore_mem>>) src(%arg16 : memref<64x64xf32, #tpu.memory_space<vmem>>) dst(%dma_wait3A_48 : memref<64x64xf32, #tpu.memory_space<hbm>>)
      tpu.yield
    }) : () -> ()
    %dma_wait3A_10 = arith.constant 0 : i32
    %dma_wait3A_11 = arith.constant 0 : i32
    %dma_wait3A_12 = tpu.memref_slice %arg3[%dma_wait3A_10, %dma_wait3A_11] : memref<10000x1xf32, #tpu.memory_space<hbm>> -> memref<10000x1xf32, #tpu.memory_space<hbm>>
    tpu.wait_indirect_dma semaphore(%arg23 : memref<!tpu.dma_semaphore, #tpu.memory_space<semaphore_mem>>) src(%dma_wait3A_12 : memref<10000x1xf32, #tpu.memory_space<hbm>>) dst(%arg19 : memref<64x1xf32, #tpu.memory_space<vmem>>)
    "tpu.region"() ({
      %run_scoped3A = tpu.sem_alloc : memref<!tpu.dma_semaphore, #tpu.memory_space<semaphore_mem>>
      %dma_start3A_41 = arith.constant 0 : i32
      %dma_start3A_42 = tpu.memref_slice %arg10[%mul3A_2, %dma_start3A_41] : memref<2048x1xf32, #tpu.memory_space<hbm>> -> memref<64x1xf32, #tpu.memory_space<hbm>>
      %dma_start3A_43 = arith.constant 0 : i32
      %dma_start3A_44 = tpu.memref_slice %arg10[%mul3A_2, %dma_start3A_43] : memref<2048x1xf32, #tpu.memory_space<hbm>> -> memref<64x1xf32, #tpu.memory_space<hbm>>
      tpu.enqueue_dma source(%arg19 : memref<64x1xf32, #tpu.memory_space<vmem>>) target(%dma_start3A_44 : memref<64x1xf32, #tpu.memory_space<hbm>>) target_semaphore(%run_scoped3A : memref<!tpu.dma_semaphore, #tpu.memory_space<semaphore_mem>>)
      %dma_wait3A_45 = arith.constant 0 : i32
      %dma_wait3A_46 = tpu.memref_slice %arg10[%mul3A_2, %dma_wait3A_45] : memref<2048x1xf32, #tpu.memory_space<hbm>> -> memref<64x1xf32, #tpu.memory_space<hbm>>
      %dma_wait3A_47 = arith.constant 0 : i32
      %dma_wait3A_48 = tpu.memref_slice %arg10[%mul3A_2, %dma_wait3A_47] : memref<2048x1xf32, #tpu.memory_space<hbm>> -> memref<64x1xf32, #tpu.memory_space<hbm>>
      tpu.wait_dma2 semaphore(%run_scoped3A : memref<!tpu.dma_semaphore, #tpu.memory_space<semaphore_mem>>) src(%arg19 : memref<64x1xf32, #tpu.memory_space<vmem>>) dst(%dma_wait3A_48 : memref<64x1xf32, #tpu.memory_space<hbm>>)
      tpu.yield
    }) : () -> ()
    %mul3A_13 = arith.constant 400 : i32
    %mul3A_14 = arith.muli %add3A, %mul3A_13 : i32
    "tpu.region"() ({
      %run_scoped3A = tpu.sem_alloc : memref<!tpu.dma_semaphore, #tpu.memory_space<semaphore_mem>>
      %dma_start3A_41 = tpu.memref_slice %arg5[%mul3A_14] : memref<12800xi32, #tpu.memory_space<hbm>> -> memref<400xi32, #tpu.memory_space<hbm>>
      %dma_start3A_42 = tpu.memref_slice %arg5[%mul3A_14] : memref<12800xi32, #tpu.memory_space<hbm>> -> memref<400xi32, #tpu.memory_space<hbm>>
      tpu.enqueue_dma source(%dma_start3A_42 : memref<400xi32, #tpu.memory_space<hbm>>) target(%arg14 : memref<400xi32, #tpu.memory_space<vmem>>) target_semaphore(%run_scoped3A : memref<!tpu.dma_semaphore, #tpu.memory_space<semaphore_mem>>)
      %dma_wait3A_43 = tpu.memref_slice %arg5[%mul3A_14] : memref<12800xi32, #tpu.memory_space<hbm>> -> memref<400xi32, #tpu.memory_space<hbm>>
      %dma_wait3A_44 = tpu.memref_slice %arg5[%mul3A_14] : memref<12800xi32, #tpu.memory_space<hbm>> -> memref<400xi32, #tpu.memory_space<hbm>>
      tpu.wait_dma2 semaphore(%run_scoped3A : memref<!tpu.dma_semaphore, #tpu.memory_space<semaphore_mem>>) src(%dma_wait3A_44 : memref<400xi32, #tpu.memory_space<hbm>>) dst(%arg14 : memref<400xi32, #tpu.memory_space<vmem>>)
      tpu.yield
    }) : () -> ()
    %dma_start3A_15 = arith.constant 0 : i32
    %dma_start3A_16 = arith.constant 0 : i32
    %dma_start3A_17 = tpu.memref_slice %arg2[%dma_start3A_15, %dma_start3A_16] : memref<10000x64xf32, #tpu.memory_space<hbm>> -> memref<10000x64xf32, #tpu.memory_space<hbm>>
    tpu.enqueue_indirect_dma source(%dma_start3A_17 : memref<10000x64xf32, #tpu.memory_space<hbm>>) target(%arg17 : memref<400x64xf32, #tpu.memory_space<vmem>>) offsets(%arg14 : memref<400xi32, #tpu.memory_space<vmem>>) semaphore(%arg22 : memref<!tpu.dma_semaphore, #tpu.memory_space<semaphore_mem>>)
    %dma_start3A_18 = arith.constant 0 : i32
    %dma_start3A_19 = arith.constant 0 : i32
    %dma_start3A_20 = tpu.memref_slice %arg3[%dma_start3A_18, %dma_start3A_19] : memref<10000x1xf32, #tpu.memory_space<hbm>> -> memref<10000x1xf32, #tpu.memory_space<hbm>>
    tpu.enqueue_indirect_dma source(%dma_start3A_20 : memref<10000x1xf32, #tpu.memory_space<hbm>>) target(%arg20 : memref<400x1xf32, #tpu.memory_space<vmem>>) offsets(%arg14 : memref<400xi32, #tpu.memory_space<vmem>>) semaphore(%arg23 : memref<!tpu.dma_semaphore, #tpu.memory_space<semaphore_mem>>)
    %dma_wait3A_21 = arith.constant 0 : i32
    %dma_wait3A_22 = arith.constant 0 : i32
    %dma_wait3A_23 = tpu.memref_slice %arg2[%dma_wait3A_21, %dma_wait3A_22] : memref<10000x64xf32, #tpu.memory_space<hbm>> -> memref<10000x64xf32, #tpu.memory_space<hbm>>
    tpu.wait_indirect_dma semaphore(%arg22 : memref<!tpu.dma_semaphore, #tpu.memory_space<semaphore_mem>>) src(%dma_wait3A_23 : memref<10000x64xf32, #tpu.memory_space<hbm>>) dst(%arg17 : memref<400x64xf32, #tpu.memory_space<vmem>>)
    "tpu.region"() ({
      %run_scoped3A = tpu.sem_alloc : memref<!tpu.dma_semaphore, #tpu.memory_space<semaphore_mem>>
      %dma_start3A_41 = arith.constant 0 : i32
      %dma_start3A_42 = tpu.memref_slice %arg8[%mul3A_14, %dma_start3A_41] : memref<12800x64xf32, #tpu.memory_space<hbm>> -> memref<400x64xf32, #tpu.memory_space<hbm>>
      %dma_start3A_43 = arith.constant 0 : i32
      %dma_start3A_44 = tpu.memref_slice %arg8[%mul3A_14, %dma_start3A_43] : memref<12800x64xf32, #tpu.memory_space<hbm>> -> memref<400x64xf32, #tpu.memory_space<hbm>>
      tpu.enqueue_dma source(%arg17 : memref<400x64xf32, #tpu.memory_space<vmem>>) target(%dma_start3A_44 : memref<400x64xf32, #tpu.memory_space<hbm>>) target_semaphore(%run_scoped3A : memref<!tpu.dma_semaphore, #tpu.memory_space<semaphore_mem>>)
      %dma_wait3A_45 = arith.constant 0 : i32
      %dma_wait3A_46 = tpu.memref_slice %arg8[%mul3A_14, %dma_wait3A_45] : memref<12800x64xf32, #tpu.memory_space<hbm>> -> memref<400x64xf32, #tpu.memory_space<hbm>>
      %dma_wait3A_47 = arith.constant 0 : i32
      %dma_wait3A_48 = tpu.memref_slice %arg8[%mul3A_14, %dma_wait3A_47] : memref<12800x64xf32, #tpu.memory_space<hbm>> -> memref<400x64xf32, #tpu.memory_space<hbm>>
      tpu.wait_dma2 semaphore(%run_scoped3A : memref<!tpu.dma_semaphore, #tpu.memory_space<semaphore_mem>>) src(%arg17 : memref<400x64xf32, #tpu.memory_space<vmem>>) dst(%dma_wait3A_48 : memref<400x64xf32, #tpu.memory_space<hbm>>)
      tpu.yield
    }) : () -> ()
    %dma_wait3A_24 = arith.constant 0 : i32
    %dma_wait3A_25 = arith.constant 0 : i32
    %dma_wait3A_26 = tpu.memref_slice %arg3[%dma_wait3A_24, %dma_wait3A_25] : memref<10000x1xf32, #tpu.memory_space<hbm>> -> memref<10000x1xf32, #tpu.memory_space<hbm>>
    tpu.wait_indirect_dma semaphore(%arg23 : memref<!tpu.dma_semaphore, #tpu.memory_space<semaphore_mem>>) src(%dma_wait3A_26 : memref<10000x1xf32, #tpu.memory_space<hbm>>) dst(%arg20 : memref<400x1xf32, #tpu.memory_space<vmem>>)
    "tpu.region"() ({
      %run_scoped3A = tpu.sem_alloc : memref<!tpu.dma_semaphore, #tpu.memory_space<semaphore_mem>>
      %dma_start3A_41 = arith.constant 0 : i32
      %dma_start3A_42 = tpu.memref_slice %arg11[%mul3A_14, %dma_start3A_41] : memref<12800x1xf32, #tpu.memory_space<hbm>> -> memref<400x1xf32, #tpu.memory_space<hbm>>
      %dma_start3A_43 = arith.constant 0 : i32
      %dma_start3A_44 = tpu.memref_slice %arg11[%mul3A_14, %dma_start3A_43] : memref<12800x1xf32, #tpu.memory_space<hbm>> -> memref<400x1xf32, #tpu.memory_space<hbm>>
      tpu.enqueue_dma source(%arg20 : memref<400x1xf32, #tpu.memory_space<vmem>>) target(%dma_start3A_44 : memref<400x1xf32, #tpu.memory_space<hbm>>) target_semaphore(%run_scoped3A : memref<!tpu.dma_semaphore, #tpu.memory_space<semaphore_mem>>)
      %dma_wait3A_45 = arith.constant 0 : i32
      %dma_wait3A_46 = tpu.memref_slice %arg11[%mul3A_14, %dma_wait3A_45] : memref<12800x1xf32, #tpu.memory_space<hbm>> -> memref<400x1xf32, #tpu.memory_space<hbm>>
      %dma_wait3A_47 = arith.constant 0 : i32
      %dma_wait3A_48 = tpu.memref_slice %arg11[%mul3A_14, %dma_wait3A_47] : memref<12800x1xf32, #tpu.memory_space<hbm>> -> memref<400x1xf32, #tpu.memory_space<hbm>>
      tpu.wait_dma2 semaphore(%run_scoped3A : memref<!tpu.dma_semaphore, #tpu.memory_space<semaphore_mem>>) src(%arg20 : memref<400x1xf32, #tpu.memory_space<vmem>>) dst(%dma_wait3A_48 : memref<400x1xf32, #tpu.memory_space<hbm>>)
      tpu.yield
    }) : () -> ()
    %mul3A_27 = arith.constant 400 : i32
    %mul3A_28 = arith.muli %add3A, %mul3A_27 : i32
    "tpu.region"() ({
      %run_scoped3A = tpu.sem_alloc : memref<!tpu.dma_semaphore, #tpu.memory_space<semaphore_mem>>
      %dma_start3A_41 = tpu.memref_slice %arg6[%mul3A_28] : memref<12800xi32, #tpu.memory_space<hbm>> -> memref<400xi32, #tpu.memory_space<hbm>>
      %dma_start3A_42 = tpu.memref_slice %arg6[%mul3A_28] : memref<12800xi32, #tpu.memory_space<hbm>> -> memref<400xi32, #tpu.memory_space<hbm>>
      tpu.enqueue_dma source(%dma_start3A_42 : memref<400xi32, #tpu.memory_space<hbm>>) target(%arg15 : memref<400xi32, #tpu.memory_space<vmem>>) target_semaphore(%run_scoped3A : memref<!tpu.dma_semaphore, #tpu.memory_space<semaphore_mem>>)
      %dma_wait3A_43 = tpu.memref_slice %arg6[%mul3A_28] : memref<12800xi32, #tpu.memory_space<hbm>> -> memref<400xi32, #tpu.memory_space<hbm>>
      %dma_wait3A_44 = tpu.memref_slice %arg6[%mul3A_28] : memref<12800xi32, #tpu.memory_space<hbm>> -> memref<400xi32, #tpu.memory_space<hbm>>
      tpu.wait_dma2 semaphore(%run_scoped3A : memref<!tpu.dma_semaphore, #tpu.memory_space<semaphore_mem>>) src(%dma_wait3A_44 : memref<400xi32, #tpu.memory_space<hbm>>) dst(%arg15 : memref<400xi32, #tpu.memory_space<vmem>>)
      tpu.yield
    }) : () -> ()
    %dma_start3A_29 = arith.constant 0 : i32
    %dma_start3A_30 = arith.constant 0 : i32
    %dma_start3A_31 = tpu.memref_slice %arg2[%dma_start3A_29, %dma_start3A_30] : memref<10000x64xf32, #tpu.memory_space<hbm>> -> memref<10000x64xf32, #tpu.memory_space<hbm>>
    tpu.enqueue_indirect_dma source(%dma_start3A_31 : memref<10000x64xf32, #tpu.memory_space<hbm>>) target(%arg18 : memref<400x64xf32, #tpu.memory_space<vmem>>) offsets(%arg15 : memref<400xi32, #tpu.memory_space<vmem>>) semaphore(%arg22 : memref<!tpu.dma_semaphore, #tpu.memory_space<semaphore_mem>>)
    %dma_start3A_32 = arith.constant 0 : i32
    %dma_start3A_33 = arith.constant 0 : i32
    %dma_start3A_34 = tpu.memref_slice %arg3[%dma_start3A_32, %dma_start3A_33] : memref<10000x1xf32, #tpu.memory_space<hbm>> -> memref<10000x1xf32, #tpu.memory_space<hbm>>
    tpu.enqueue_indirect_dma source(%dma_start3A_34 : memref<10000x1xf32, #tpu.memory_space<hbm>>) target(%arg21 : memref<400x1xf32, #tpu.memory_space<vmem>>) offsets(%arg15 : memref<400xi32, #tpu.memory_space<vmem>>) semaphore(%arg23 : memref<!tpu.dma_semaphore, #tpu.memory_space<semaphore_mem>>)
    %dma_wait3A_35 = arith.constant 0 : i32
    %dma_wait3A_36 = arith.constant 0 : i32
    %dma_wait3A_37 = tpu.memref_slice %arg2[%dma_wait3A_35, %dma_wait3A_36] : memref<10000x64xf32, #tpu.memory_space<hbm>> -> memref<10000x64xf32, #tpu.memory_space<hbm>>
    tpu.wait_indirect_dma semaphore(%arg22 : memref<!tpu.dma_semaphore, #tpu.memory_space<semaphore_mem>>) src(%dma_wait3A_37 : memref<10000x64xf32, #tpu.memory_space<hbm>>) dst(%arg18 : memref<400x64xf32, #tpu.memory_space<vmem>>)
    "tpu.region"() ({
      %run_scoped3A = tpu.sem_alloc : memref<!tpu.dma_semaphore, #tpu.memory_space<semaphore_mem>>
      %dma_start3A_41 = arith.constant 0 : i32
      %dma_start3A_42 = tpu.memref_slice %arg9[%mul3A_28, %dma_start3A_41] : memref<12800x64xf32, #tpu.memory_space<hbm>> -> memref<400x64xf32, #tpu.memory_space<hbm>>
      %dma_start3A_43 = arith.constant 0 : i32
      %dma_start3A_44 = tpu.memref_slice %arg9[%mul3A_28, %dma_start3A_43] : memref<12800x64xf32, #tpu.memory_space<hbm>> -> memref<400x64xf32, #tpu.memory_space<hbm>>
      tpu.enqueue_dma source(%arg18 : memref<400x64xf32, #tpu.memory_space<vmem>>) target(%dma_start3A_44 : memref<400x64xf32, #tpu.memory_space<hbm>>) target_semaphore(%run_scoped3A : memref<!tpu.dma_semaphore, #tpu.memory_space<semaphore_mem>>)
      %dma_wait3A_45 = arith.constant 0 : i32
      %dma_wait3A_46 = tpu.memref_slice %arg9[%mul3A_28, %dma_wait3A_45] : memref<12800x64xf32, #tpu.memory_space<hbm>> -> memref<400x64xf32, #tpu.memory_space<hbm>>
      %dma_wait3A_47 = arith.constant 0 : i32
      %dma_wait3A_48 = tpu.memref_slice %arg9[%mul3A_28, %dma_wait3A_47] : memref<12800x64xf32, #tpu.memory_space<hbm>> -> memref<400x64xf32, #tpu.memory_space<hbm>>
      tpu.wait_dma2 semaphore(%run_scoped3A : memref<!tpu.dma_semaphore, #tpu.memory_space<semaphore_mem>>) src(%arg18 : memref<400x64xf32, #tpu.memory_space<vmem>>) dst(%dma_wait3A_48 : memref<400x64xf32, #tpu.memory_space<hbm>>)
      tpu.yield
    }) : () -> ()
    %dma_wait3A_38 = arith.constant 0 : i32
    %dma_wait3A_39 = arith.constant 0 : i32
    %dma_wait3A_40 = tpu.memref_slice %arg3[%dma_wait3A_38, %dma_wait3A_39] : memref<10000x1xf32, #tpu.memory_space<hbm>> -> memref<10000x1xf32, #tpu.memory_space<hbm>>
    tpu.wait_indirect_dma semaphore(%arg23 : memref<!tpu.dma_semaphore, #tpu.memory_space<semaphore_mem>>) src(%dma_wait3A_40 : memref<10000x1xf32, #tpu.memory_space<hbm>>) dst(%arg21 : memref<400x1xf32, #tpu.memory_space<vmem>>)
    "tpu.region"() ({
      %run_scoped3A = tpu.sem_alloc : memref<!tpu.dma_semaphore, #tpu.memory_space<semaphore_mem>>
      %dma_start3A_41 = arith.constant 0 : i32
      %dma_start3A_42 = tpu.memref_slice %arg12[%mul3A_28, %dma_start3A_41] : memref<12800x1xf32, #tpu.memory_space<hbm>> -> memref<400x1xf32, #tpu.memory_space<hbm>>
      %dma_start3A_43 = arith.constant 0 : i32
      %dma_start3A_44 = tpu.memref_slice %arg12[%mul3A_28, %dma_start3A_43] : memref<12800x1xf32, #tpu.memory_space<hbm>> -> memref<400x1xf32, #tpu.memory_space<hbm>>
      tpu.enqueue_dma source(%arg21 : memref<400x1xf32, #tpu.memory_space<vmem>>) target(%dma_start3A_44 : memref<400x1xf32, #tpu.memory_space<hbm>>) target_semaphore(%run_scoped3A : memref<!tpu.dma_semaphore, #tpu.memory_space<semaphore_mem>>)
      %dma_wait3A_45 = arith.constant 0 : i32
      %dma_wait3A_46 = tpu.memref_slice %arg12[%mul3A_28, %dma_wait3A_45] : memref<12800x1xf32, #tpu.memory_space<hbm>> -> memref<400x1xf32, #tpu.memory_space<hbm>>
      %dma_wait3A_47 = arith.constant 0 : i32
      %dma_wait3A_48 = tpu.memref_slice %arg12[%mul3A_28, %dma_wait3A_47] : memref<12800x1xf32, #tpu.memory_space<hbm>> -> memref<400x1xf32, #tpu.memory_space<hbm>>
      tpu.wait_dma2 semaphore(%run_scoped3A : memref<!tpu.dma_semaphore, #tpu.memory_space<semaphore_mem>>) src(%arg21 : memref<400x1xf32, #tpu.memory_space<vmem>>) dst(%dma_wait3A_48 : memref<400x1xf32, #tpu.memory_space<hbm>>)
      tpu.yield
    }) : () -> ()
    return
  }
}

</mosaic_0001>

<sc_bundles>
// kernel: _sc_gather.3.cloned.1.call-start
scs
__scs_entry_jumppad:
0x0: {  	(pc) =	sbr.rel $0x88, $3  }
0x1: {  	(tag) =	ssettag $0x0;
	lr =	simm.s32 $0x1  }
0x2: {  	[smem:$0x3F9C] =	sst lr;
	_ =	strace $0xD0000000  }
0x3: {  	_ = 	snop  }
0x4: {  	_ = 	snop  }
0x5: {  	_ = 	snop  }
0x6: {  	_ = 	snop  }
0x7: {  	_ = 	snop  }
__scs_overlays_trampoline_lowered:
0x8: {  	[smem:$0x3FAB] =	sst s0  }
0x9: {  	[smem:$0x3FAC] =	sst s1  }
0xa: {  	[smem:$0x3FAD] =	sst s2  }
0xb: {  	[smem:$0x3FAE] =	sst s3  }
0xc: {  	[smem:$0x3FAF] =	sst s4  }
0xd: {  	[smem:$0x3FB0] =	sst s5  }
0xe: {  	[smem:$0x3FB1] =	sst s6  }
0xf: {  	[smem:$0x3FB2] =	sst s7  }
0x10: {  	[smem:$0x3FB3] =	sst s8  }
0x11: {  	[smem:$0x3FB4] =	sst s9;
	s0 =	simm.s32 @!p0 $0x0  }
0x12: {  	s1 =	sld [smem:$0x3F9A];
	s0 =	simm.s32 @p0 $0x1  }
0x13: {  	[smem:$0x3FB5] =	sst s0;
	s0 =	simm.s32 @!p1 $0x0  }
0x14: {  	s2 =	sld [smem:$0x3F99];
	s0 =	simm.s32 @p1 $0x1  }
0x15: {  	[smem:$0x3FB6] =	sst s0;
	s0 =	simm.s32 @!p2 $0x0  }
0x16: {  	s3 =	sld [smem:$0x3FDB];
	s0 =	simm.s32 @p2 $0x1  }
0x17: {  	s4 =	simm.s32 $0x1BF5;
	[smem:$0x3FB8] =	sst s0  }
0x18: {  	s0 =	sld [smem:$0x3F9B];
	_ =	swait.ge [sflag:s4], $0x0  }
0x19: {  	s7 =	sld [smem:$0x3F9C]  }
0x1a: {  	s8 =	sadd.s32 $0xFFFFE003, lr  }
0x1b: {  	s9 =	sadd.s32 $0xFFFFFEF7, lr;
	s5 =	simm.s32 $0xFFFFFFFF;
	p2 =	slt.u32 s8, $0xFFFFF086  }
0x1c: {  	p1 =	slt.u32 s9, $0xF7A;
	s5 =	simm.s32 @!p2 $0x0  }
0x1d: {  	s5 =	simm.s32 @p1 $0x1;
	p0 =	seq.s32 s7, s2  }
0x1e: {  	s7 =	smul.u32 @!p0 $0xF7A, s2;
	p2 =	seq.s32 @!p0 s5, $0x0  }
0x1f: {  	s9 =	smul.u32 $0xF7A, s1;
	s8 =	simm.s32 @!p0 $0x1BF5;
	p2 =	por !p2, p0  }
0x20: {  	[sflag:s8] =	ssyncset.s32 @!p0 $0xFFFFF086;
	s6 =	sadd.s32 @!p0 s3, s7;
	s7 =	simm.s32 @!p0 $0x108  }
0x21: {  	s3 =	sadd.s32 s3, s9;
	s6 =	sadd.s32 @!p0 $0x88, s6;
	s7 =	simm.s32 @p2 $0x1082  }
0x22: {  	[simem:s7], [sflag:s8] =	dma.local @!p0 [hbm:s6], $0xF7A  }
0x23: {  	s9 =	sor.u32 $0xD0000000, s2;
	s6 =	simm.s32 $0x108;
	_ =	swait.ge @!p0 [sflag:s8], $0x0  }
0x24: {  	s3 =	sadd.s32 $0x88, s3;
	s6 =	simm.s32 @!p1 $0x1082;
	[sflag:s4] =	ssyncset.s32 $0xFFFFF086  }
0x25: {  	[simem:s6], [sflag:s4] =	dma.local [hbm:s3], $0xF7A  }
0x26: {  	[smem:$0x3F9C] =	sst s1;
	(tag) =	ssettag s2;
	_ =	strace s9  }
0x27: {  	s1 =	sld [smem:$0x3FAC]  }
0x28: {  	s2 =	sld [smem:$0x3FAD]  }
0x29: {  	s4 =	sld [smem:$0x3FAF]  }
0x2a: {  	p0 =	seq.s32 s5, $0x0;
	s5 =	sld [smem:$0x3FB0]  }
0x2b: {  	s6 =	sld [smem:$0x3FB1]  }
0x2c: {  	s7 =	sld [smem:$0x3FB2]  }
0x2d: {  	s3 =	simm.s32 $0x108;
	s8 =	sld [smem:$0x3FB3]  }
0x2e: {  	s3 =	simm.s32 @!p0 $0x1082;
	s9 =	sld [smem:$0x3FB4]  }
0x2f: {  	lr =	sadd.s32 s0, s3;
	s0 =	sld [smem:$0x3FAB]  }
0x30: {  	s3 =	sld [smem:$0x3FAE]  }
0x31: {  	[smem:$0x3FB7] =	sst s10  }
0x32: {  	s10 =	sld [smem:$0x3FB5];
	_ =	sdelay $0x3  }
0x33: {  	p0 =	seq.s32 s10, $0x1;
	s10 =	sld [smem:$0x3FB7];
	_ =	sdelay $0x3  }
0x34: {  	[smem:$0x3FB7] =	sst s10  }
0x35: {  	s10 =	sld [smem:$0x3FB6];
	_ =	sdelay $0x3  }
0x36: {  	p1 =	seq.s32 s10, $0x1;
	s10 =	sld [smem:$0x3FB7];
	_ =	sdelay $0x3  }
0x37: {  	[smem:$0x3FB7] =	sst s10  }
0x38: {  	s10 =	sld [smem:$0x3FB8]  }
0x39: {  	_ = 	snop;
	(pc) =	sbr.ind lr, $3  }
0x3a: {  	_ = 	snop  }
0x3b: {  	_ = 	snop  }
0x3c: {  	p2 =	seq.s32 s10, $0x1;
	s10 =	sld [smem:$0x3FB7]  }
0x3d: {  	_ =	shalt  }
0x3e: {  	_ =	shalt  }
0x3f: {  	_ =	shalt  }
0x40: {  	_ =	shalt  }
0x41: {  	_ =	shalt  }
0x42: {  	_ =	shalt  }
0x43: {  	_ =	shalt  }
0x44: {  	_ =	shalt  }
0x45: {  	_ =	shalt  }
0x46: {  	_ =	shalt  }
0x47: {  	_ =	shalt  }
0x48: {  	_ =	shalt  }
0x49: {  	_ =	shalt  }
0x4a: {  	_ =	shalt  }
0x4b: {  	_ =	shalt  }
0x4c: {  	_ =	shalt  }
0x4d: {  	_ =	shalt  }
0x4e: {  	_ =	shalt  }
0x4f: {  	_ =	shalt  }
0x50: {  	_ =	shalt  }
0x51: {  	_ =	shalt  }
0x52: {  	_ =	shalt  }
0x53: {  	_ =	shalt  }
0x54: {  	_ =	shalt  }
0x55: {  	_ =	shalt  }
0x56: {  	_ =	shalt  }
0x57: {  	_ =	shalt  }
0x58: {  	_ =	shalt  }
0x59: {  	_ =	shalt  }
0x5a: {  	_ =	shalt  }
0x5b: {  	_ =	shalt  }
0x5c: {  	_ =	shalt  }
0x5d: {  	_ =	shalt  }
0x5e: {  	_ =	shalt  }
0x5f: {  	_ =	shalt  }
0x60: {  	_ =	shalt  }
0x61: {  	_ =	shalt  }
0x62: {  	_ =	shalt  }
0x63: {  	_ =	shalt  }
0x64: {  	_ =	shalt  }
0x65: {  	_ =	shalt  }
0x66: {  	_ =	shalt  }
0x67: {  	_ =	shalt  }
0x68: {  	_ =	shalt  }
0x69: {  	_ =	shalt  }
0x6a: {  	_ =	shalt  }
0x6b: {  	_ =	shalt  }
0x6c: {  	_ =	shalt  }
0x6d: {  	_ =	shalt  }
0x6e: {  	_ =	shalt  }
0x6f: {  	_ =	shalt  }
0x70: {  	_ =	shalt  }
0x71: {  	_ =	shalt  }
0x72: {  	_ =	shalt  }
0x73: {  	_ =	shalt  }
0x74: {  	_ =	shalt  }
0x75: {  	_ =	shalt  }
0x76: {  	_ =	shalt  }
0x77: {  	_ =	shalt  }
0x78: {  	_ =	shalt  }
0x79: {  	_ =	shalt  }
0x7a: {  	_ =	shalt  }
0x7b: {  	_ =	shalt  }
0x7c: {  	_ =	shalt  }
0x7d: {  	_ =	shalt  }
0x7e: {  	_ =	shalt  }
0x7f: {  	_ =	shalt  }
0x80: {  	_ =	shalt  }
0x81: {  	_ =	shalt  }
0x82: {  	_ =	shalt  }
0x83: {  	_ =	shalt  }
0x84: {  	_ =	shalt  }
0x85: {  	_ =	shalt  }
0x86: {  	_ =	shalt  }
0x87: {  	_ =	shalt  }
.Lfunc_end0:
.L_simem_size_0:
called_computation_lowered:
.L_overlay_start_0:
0x88: {  	s2 =	sld [smem:$0x3FD9]  }
0x89: {  	s3 =	sld [smem:$0x3FFE];
	_ =	sdelay $0x1  }
0x8a: {  	s1 =	srdreg.scid  }
0x8b: {  	s0 =	sand.u32 $0x1, s1  }
0x8c: {  	s14 =	sshll.u32 s0, $0xA;
	s2 =	sadd.s32 s3, s2  }
0x8d: {  	s2 =	sadd.s32 s2, s14  }
0x8e: {  	[smem:$0x3FC3] =	sst s2  }
0x8f: {  	_ = 	snop  }
0x90: {  	s2 =	sld [smem:$0x3FD0]  }
0x91: {  	s15 =	sld [smem:$0x3FC7]  }
0x92: {  	s4 =	sld [smem:$0x3FC6]  }
0x93: {  	s6 =	simm.s32 $0xA;
	s7 =	simm.s32 $0x10;
	s5 =	sld [smem:$0x3FC5]  }
0x94: {  	[smem:s7], [sflag:s6] =	dma.local [hbm:s2], $0x1  }
0x95: {  	_ =	swait.eq [sflag:s6], $0x1  }
0x96: {  	s16 =	sld [smem:$0x10];
	[sflag:s6] =	ssyncset.done $0x0  }
0x97: {  	s17 =	sld [smem:$0x11];
	[sflag:s6] =	ssyncadd.s32 $0xFFFFFFFF  }
0x98: {  	s18 =	sld [smem:$0x12];
	(tm) =	ssettm $0x1  }
0x99: {  	s8 =	sld [smem:$0x3FFB];
	_ =	sdelay $0x3  }
0x9a: {  	_ =	strace s8  }
0x9b: {  	s8 =	sld [smem:$0x3FFC];
	_ =	sdelay $0x3  }
0x9c: {  	_ =	strace s8  }
0x9d: {  	s8 =	sld [smem:$0x3FFD];
	_ =	sdelay $0x3  }
0x9e: {  	_ =	strace s8  }
0x9f: {  	_ =	strace $0x8FFFFFFF  }
0xa0: {  	s19 =	sld [smem:$0x3FDB];
	_ =	sdelay $0x1  }
0xa1: {  	s9 =	simm.s32 $_scs_section_size  }
0xa2: {  	s10 =	simm.s32 $_size__tile_overlayer_lowered;
	s11 =	simm.s32 $_tile_overlayer_lowered  }
0xa3: {  	s22 =	simm.s32 $0x1BFF;
	s21 =	sshll.u32 s11, $0x1;
	s8 =	sadd.s32 s9, s19  }
0xa4: {  	s12 =	simm.s32 $0x0;
	s20 =	sshll.u32 s10, $0x1;
	s10 =	sadd.s32 s21, s8  }
0xa5: {  	[timem:s12], [sflag:s22] =	dma.local [hbm:s10], s20  }
0xa6: {  	_ =	swait.ge [sflag:s22], s20  }
0xa7: {  	s9 =	ssub.s32 $0x0, s20;
	[sflag:s22] =	ssyncset.done $0x0  }
0xa8: {  	[sflag:s22] =	ssyncadd.s32 s9;
	_ =	sdelay $0x1  }
0xa9: {  	s23 =	simm.s32 $0x1B8B  }
0xaa: {  	_ =	swait.ge [sflag:s23], $0x1  }
0xab: {  	[sflag:s23] =	ssyncset.done $0x0  }
0xac: {  	s25 =	simm.s32 $0x1B8E;
	s24 =	sld [smem:$0x3FFE];
	[sflag:s23] =	ssyncadd.s32 $0xFFFFFFFF  }
0xad: {  	s26 =	simm.s32 $execute0_lowered;
	[smem:$0x3FD2] =	sst s25  }
0xae: {  	s10 =	sshll.u32 s26, $0x1;
	_ =	strace $0x80000046;
	[dreg:$0x1] =	wrdreg $0xFFFFFFFF  }
0xaf: {  	s28 =	simm.s32 $_size_execute0_lowered;
	s8 =	sadd.s32 s8, s10;
	[dreg:$0x0] =	wrdreg $0x0  }
0xb0: {  	s10 =	sshll.u32 s28, $0x1;
	[dreg:$0x2] =	wrdreg s8  }
0xb1: {  	[dreg:$0x3] =	wrdreg s10  }
0xb2: {  	[dreg:$0x4] =	wrdreg $0xC0  }
0xb3: {  	_ =	task [dreg:s12], $0x5FFFF  }
0xb4: {  	[dreg:$0x1] =	wrdreg $0xFFFFFFFF  }
0xb5: {  	[dreg:$0x0] =	wrdreg $0x60  }
0xb6: {  	[dreg:$0x2] =	wrdreg s17  }
0xb7: {  	[dreg:$0x3] =	wrdreg s24  }
0xb8: {  	[dreg:$0x4] =	wrdreg s15  }
0xb9: {  	[dreg:$0x5] =	wrdreg s4  }
0xba: {  	[dreg:$0x6] =	wrdreg s5  }
0xbb: {  	[dreg:$0x7] =	wrdreg s16  }
0xbc: {  	[dreg:$0x8] =	wrdreg s18  }
0xbd: {  	[dreg:$0x9] =	wrdreg $0x9  }
0xbe: {  	_ =	task.clear_ibuf [dreg:s12], $0xAFFFF;
	_ =	strace $0x90000046  }
0xbf: {  	s29 =	simm.s32 $0x9;
	_ =	strace $0x80000048  }
0xc0: {  	_ =	swait.ge [sflag:s29], $0x1  }
0xc1: {  	[sflag:s29] =	ssyncadd.s32 $0xFFFFFFFF  }
0xc2: {  	_ =	strace $0x90000048  }
0xc3: {  	_ =	sfence  }
0xc4: {  	s30 =	sld [smem:$0x0];
	_ =	sdelay $0x2  }
0xc5: {  	s31 =	sshll.u32 s1, $0xD;
	s1 =	sshrl.u32 s1, $0x2  }
0xc6: {  	s3 =	sand.u32 $0x4000, s31;
	s1 =	sadd.s32 s1, s30  }
0xc7: {  	s0 =	sor.u32 s3, s0;
	s1 =	sshll.u32 s1, $0x11  }
0xc8: {  	s0 =	sor.u32 s1, s0  }
0xc9: {  	s0 =	sadd.s32 $0x8F2B, s0  }
0xca: {  	[sflag:s0] =	ssyncadd.remote.s32 $0x1  }
0xcb: {  	_ =	sfence.sel $0xFFFF  }
0xcc: {  	[dreg:$0x0] =	wrdreg $0xFFFFFFFF;
	(pc) =	sbr.abs _section_cstart, $3  }
0xcd: {  	[dreg:$0x1] =	wrdreg $0xFFFFFFFF  }
0xce: {  	_ =	task.clear_ibuf [dreg:s12], $0x2FFFF;
	_ =	strace $0x9FFFFFFF  }
0xcf: {  	(tm) =	ssettm $0x7FFFFFFF  }
tec
execute0_lowered:
.L_overlay_start_1:
0x0: {  	(tag) =	ssettag $0x1  }
0x1: {  	s0 =	rddreg [dreg:$0x0]  }
0x2: {  	s24 =	rddreg [dreg:$0x1]  }
0x3: {  	s4 =	rddreg [dreg:$0x2]  }
0x4: {  	s14 =	rddreg [dreg:$0x3]  }
0x5: {  	s20 =	rddreg [dreg:$0x4]  }
0x6: {  	s11 =	rddreg [dreg:$0x5]  }
0x7: {  	s2 =	srdreg.scid;
	s1 =	stileid.u32  }
0x8: {  	s18 =	rddreg [dreg:$0x6];
	s25 =	sand.u32 $0x1, s2;
	s5 =	sshll.u32 s1, $0x1  }
0x9: {  	s3 =	simm.s32 $0x0;
	s2 =	rddreg [dreg:$0x7];
	s19 =	sor.u32 s25, s5  }
0xa: {  	[smem:$0x7FF] =	sst s3;
	s5 =	sshll.u32 s19, $0x3  }
0xb: {  	_ =	strace $0x80000047;
	s5 =	sadd.s32 s4, s5;
	s4 =	simm.s32 $0x3  }
0xc: {  	[tilespmem:s3], [sflag:$0x3] =	stream.linear.gather [hbm4b:s5+s3], $0x40, $0x38;
	[tilespmem:$0xF660] =	vst v63  }
0xd: {  	_ =	swait.ge [sflag:s4], $0x40  }
0xe: {  	[sflag:s4] =	ssyncset.done $0x0  }
0xf: {  	s6 =	simm.s32 $0x40;
	s7 =	simm.s32 $0x360;
	[sflag:s4] =	ssyncadd.s32 $0xFFFFFFC0  }
0x10: {  	[tilespmem:s7], [sflag:$0x1] =	stream.indirect.gather [hbm4b:s0+s6], $0x40, s3, s6, $0xb8;
	[tilespmem:$0xF660] =	vst v63  }
0x11: {  	s9 =	simm.s32 $0xDB60;
	s10 =	simm.s32 $0x1;
	s8 =	sadd.s32 $0x1200, s24  }
0x12: {  	[tilespmem:s9], [sflag:$0x2] =	stream.indirect.gather [hbm4b:s8+s6], $0x1, s3, s6, $0xb8;
	[tilespmem:$0xF660] =	vst v63  }
0x13: {  	_ =	swait.ge [sflag:s10], $0x1000  }
0x14: {  	s12 =	sshll.u32 s19, $0x9;
	[sflag:s10] =	ssyncset.done $0x0  }
0x15: {  	s11 =	sadd.s32 s11, s12;
	[sflag:s10] =	ssyncadd.s32 $0xFFFFF000  }
0x16: {  	[hbm4b:s11+s3] =	stream.linear.scatter [tilespmem:s7], [sflag:$0x3], $0x1000, $0x38;
	[tilespmem:$0xF660] =	vst v63  }
0x17: {  	_ =	swait.ge [sflag:s4], $0x1000  }
0x18: {  	[sflag:s4] =	ssyncset.done $0x0  }
0x19: {  	s12 =	simm.s32 $0x2;
	[sflag:s4] =	ssyncadd.s32 $0xFFFFF000  }
0x1a: {  	s13 =	sshll.u32 s19, $0x6;
	_ =	swait.ge [sflag:s12], $0x40  }
0x1b: {  	s13 =	sadd.s32 s13, s24;
	[sflag:s12] =	ssyncset.done $0x0  }
0x1c: {  	s13 =	sadd.s32 $0x3A00, s13;
	[sflag:s12] =	ssyncadd.s32 $0xFFFFFFC0  }
0x1d: {  	[hbm4b:s13+s3] =	stream.linear.scatter [tilespmem:s9], [sflag:$0x3], $0x200, $0x38;
	[tilespmem:$0xF660] =	vst v63  }
0x1e: {  	s21 =	smul.u32 $0x32, s19;
	_ =	swait.ge [sflag:s4], $0x200  }
0x1f: {  	[sflag:s4] =	ssyncset.done $0x0  }
0x20: {  	s14 =	sadd.s32 s14, s21;
	[sflag:s4] =	ssyncadd.s32 $0xFFFFFE00  }
0x21: {  	[tilespmem:s6], [sflag:$0x3] =	stream.linear.gather [hbm4b:s14+s3], $0x190, $0x38;
	[tilespmem:$0xF660] =	vst v63  }
0x22: {  	_ =	swait.ge [sflag:s4], $0x190  }
0x23: {  	[sflag:s4] =	ssyncset.done $0x0  }
0x24: {  	s15 =	simm.s32 $0x190;
	s16 =	simm.s32 $0x1360;
	[sflag:s4] =	ssyncadd.s32 $0xFFFFFE70  }
0x25: {  	[tilespmem:s16], [sflag:$0x1] =	stream.indirect.gather [hbm4b:s0+s15], $0x40, s6, s15, $0xb8;
	[tilespmem:$0xF660] =	vst v63  }
0x26: {  	s17 =	simm.s32 $0xDD60  }
0x27: {  	[tilespmem:s17], [sflag:$0x2] =	stream.indirect.gather [hbm4b:s8+s15], $0x1, s6, s15, $0xb8;
	[tilespmem:$0xF660] =	vst v63  }
0x28: {  	s26 =	smul.u32 $0xC80, s19;
	_ =	swait.ge [sflag:s10], $0x6400  }
0x29: {  	[sflag:s10] =	ssyncset.done $0x0  }
0x2a: {  	s18 =	sadd.s32 s18, s26;
	[sflag:s10] =	ssyncadd.s32 $0xFFFF9C00  }
0x2b: {  	[hbm4b:s18+s3] =	stream.linear.scatter [tilespmem:s16], [sflag:$0x3], $0x6400, $0x38;
	[tilespmem:$0xF660] =	vst v63  }
0x2c: {  	_ =	swait.ge [sflag:s4], $0x6400  }
0x2d: {  	[sflag:s4] =	ssyncset.done $0x0  }
0x2e: {  	s19 =	smul.u32 $0x190, s19;
	[sflag:s4] =	ssyncadd.s32 $0xFFFF9C00  }
0x2f: {  	_ =	swait.ge [sflag:s12], $0x190  }
0x30: {  	s28 =	sadd.s32 s19, s24;
	[sflag:s12] =	ssyncset.done $0x0  }
0x31: {  	s19 =	sadd.s32 $0x1D200, s28;
	[sflag:s12] =	ssyncadd.s32 $0xFFFFFE70  }
0x32: {  	[hbm4b:s19+s3] =	stream.linear.scatter [tilespmem:s17], [sflag:$0x3], $0xC80, $0x38;
	[tilespmem:$0xF660] =	vst v63  }
0x33: {  	_ =	swait.ge [sflag:s4], $0xC80  }
0x34: {  	[sflag:s4] =	ssyncset.done $0x0  }
0x35: {  	s20 =	sadd.s32 s20, s21;
	s21 =	simm.s32 $0x1D0;
	[sflag:s4] =	ssyncadd.s32 $0xFFFFF380  }
0x36: {  	[tilespmem:s21], [sflag:$0x3] =	stream.linear.gather [hbm4b:s20+s3], $0x190, $0x38;
	[tilespmem:$0xF660] =	vst v63  }
0x37: {  	_ =	swait.ge [sflag:s4], $0x190  }
0x38: {  	[sflag:s4] =	ssyncset.done $0x0  }
0x39: {  	s22 =	simm.s32 $0x7760;
	[sflag:s4] =	ssyncadd.s32 $0xFFFFFE70  }
0x3a: {  	[tilespmem:s22], [sflag:$0x1] =	stream.indirect.gather [hbm4b:s0+s15], $0x40, s21, s15, $0xb8;
	[tilespmem:$0xF660] =	vst v63  }
0x3b: {  	s23 =	simm.s32 $0xE9E0  }
0x3c: {  	[tilespmem:s23], [sflag:$0x2] =	stream.indirect.gather [hbm4b:s8+s15], $0x1, s21, s15, $0xb8;
	[tilespmem:$0xF660] =	vst v63  }
0x3d: {  	_ =	swait.ge [sflag:s10], $0x6400  }
0x3e: {  	s24 =	sadd.s32 s26, s24;
	[sflag:s10] =	ssyncset.done $0x0  }
0x3f: {  	s25 =	ssub.s32 $0x2, s25;
	s24 =	sadd.s32 $0x4200, s24;
	[sflag:s10] =	ssyncadd.s32 $0xFFFF9C00  }
0x40: {  	[hbm4b:s24+s3] =	stream.linear.scatter [tilespmem:s22], [sflag:$0x3], $0x6400, $0x38;
	[tilespmem:$0xF660] =	vst v63  }
0x41: {  	s31 =	sshrl.u32 s25, $0x1;
	_ =	swait.ge [sflag:s4], $0x6400  }
0x42: {  	s26 =	ssub.s32 s25, s31;
	[sflag:s4] =	ssyncset.done $0x0  }
0x43: {  	s26 =	smax.u32 s26, $0x1;
	[sflag:s4] =	ssyncadd.s32 $0xFFFF9C00  }
0x44: {  	p0 =	sne.s32 s26, $0x1;
	_ =	swait.ge [sflag:s12], $0x190  }
.Ltmp0:
0x45: {  	[sflag:s12] =	ssyncset.done $0x0;
	(pc) =	sbr.rel @!p0 .LBB2_2-.Ltmp0, $4  }
0x46: {  	s25 =	sadd.s32 $0x20400, s28;
	[sflag:s12] =	ssyncadd.s32 $0xFFFFFE70  }
0x47: {  	[hbm4b:s25+s3] =	stream.linear.scatter [tilespmem:s23], [sflag:$0x3], $0xC80, $0x38;
	[tilespmem:$0xF660] =	vst v63  }
0x48: {  	_ =	swait.ge [sflag:s4], $0xC80  }
0x49: {  	s26 =	sadd.s32 $0xFFFFFFFF, s26;
	[sflag:s4] =	ssyncset.done $0x0  }
.LBB2_1:
0x4a: {  	p0 =	sne.s32 s26, $0x1;
	s26 =	sadd.s32 $0xFFFFFFFF, s26;
	[sflag:s4] =	ssyncadd.s32 $0xFFFFF380  }
0x4b: {  	[tilespmem:s3], [sflag:$0x3] =	stream.linear.gather [hbm4b:s5+s3], $0x40, $0x38;
	[tilespmem:$0xF660] =	vst v63  }
0x4c: {  	_ =	swait.ge [sflag:s4], $0x40  }
0x4d: {  	[sflag:s4] =	ssyncset.done $0x0  }
0x4e: {  	[sflag:s4] =	ssyncadd.s32 $0xFFFFFFC0  }
0x4f: {  	[tilespmem:s7], [sflag:$0x1] =	stream.indirect.gather [hbm4b:s0+s6], $0x40, s3, s6, $0xb8;
	[tilespmem:$0xF660] =	vst v63  }
0x50: {  	_ = 	snop  }
0x51: {  	[tilespmem:s9], [sflag:$0x2] =	stream.indirect.gather [hbm4b:s8+s6], $0x1, s3, s6, $0xb8;
	[tilespmem:$0xF660] =	vst v63  }
0x52: {  	_ =	swait.ge [sflag:s10], $0x1000  }
0x53: {  	[sflag:s10] =	ssyncset.done $0x0  }
0x54: {  	[sflag:s10] =	ssyncadd.s32 $0xFFFFF000  }
0x55: {  	[hbm4b:s11+s3] =	stream.linear.scatter [tilespmem:s7], [sflag:$0x3], $0x1000, $0x38;
	[tilespmem:$0xF660] =	vst v63  }
0x56: {  	_ =	swait.ge [sflag:s4], $0x1000  }
0x57: {  	[sflag:s4] =	ssyncset.done $0x0  }
0x58: {  	[sflag:s4] =	ssyncadd.s32 $0xFFFFF000  }
0x59: {  	_ =	swait.ge [sflag:s12], $0x40  }
0x5a: {  	[sflag:s12] =	ssyncset.done $0x0  }
0x5b: {  	[sflag:s12] =	ssyncadd.s32 $0xFFFFFFC0  }
0x5c: {  	[hbm4b:s13+s3] =	stream.linear.scatter [tilespmem:s9], [sflag:$0x3], $0x200, $0x38;
	[tilespmem:$0xF660] =	vst v63  }
0x5d: {  	_ =	swait.ge [sflag:s4], $0x200  }
0x5e: {  	[sflag:s4] =	ssyncset.done $0x0  }
0x5f: {  	[sflag:s4] =	ssyncadd.s32 $0xFFFFFE00  }
0x60: {  	[tilespmem:s6], [sflag:$0x3] =	stream.linear.gather [hbm4b:s14+s3], $0x190, $0x38;
	[tilespmem:$0xF660] =	vst v63  }
0x61: {  	_ =	swait.ge [sflag:s4], $0x190  }
0x62: {  	[sflag:s4] =	ssyncset.done $0x0  }
0x63: {  	[sflag:s4] =	ssyncadd.s32 $0xFFFFFE70  }
0x64: {  	[tilespmem:s16], [sflag:$0x1] =	stream.indirect.gather [hbm4b:s0+s15], $0x40, s6, s15, $0xb8;
	[tilespmem:$0xF660] =	vst v63  }
0x65: {  	_ = 	snop  }
0x66: {  	[tilespmem:s17], [sflag:$0x2] =	stream.indirect.gather [hbm4b:s8+s15], $0x1, s6, s15, $0xb8;
	[tilespmem:$0xF660] =	vst v63  }
0x67: {  	_ =	swait.ge [sflag:s10], $0x6400  }
0x68: {  	[sflag:s10] =	ssyncset.done $0x0  }
0x69: {  	[sflag:s10] =	ssyncadd.s32 $0xFFFF9C00  }
0x6a: {  	[hbm4b:s18+s3] =	stream.linear.scatter [tilespmem:s16], [sflag:$0x3], $0x6400, $0x38;
	[tilespmem:$0xF660] =	vst v63  }
0x6b: {  	_ =	swait.ge [sflag:s4], $0x6400  }
0x6c: {  	[sflag:s4] =	ssyncset.done $0x0  }
0x6d: {  	[sflag:s4] =	ssyncadd.s32 $0xFFFF9C00  }
0x6e: {  	_ =	swait.ge [sflag:s12], $0x190  }
0x6f: {  	[sflag:s12] =	ssyncset.done $0x0  }
0x70: {  	[sflag:s12] =	ssyncadd.s32 $0xFFFFFE70  }
0x71: {  	[hbm4b:s19+s3] =	stream.linear.scatter [tilespmem:s17], [sflag:$0x3], $0xC80, $0x38;
	[tilespmem:$0xF660] =	vst v63  }
0x72: {  	_ =	swait.ge [sflag:s4], $0xC80  }
0x73: {  	[sflag:s4] =	ssyncset.done $0x0  }
0x74: {  	[sflag:s4] =	ssyncadd.s32 $0xFFFFF380  }
0x75: {  	[tilespmem:s21], [sflag:$0x3] =	stream.linear.gather [hbm4b:s20+s3], $0x190, $0x38;
	[tilespmem:$0xF660] =	vst v63  }
0x76: {  	_ =	swait.ge [sflag:s4], $0x190  }
0x77: {  	[sflag:s4] =	ssyncset.done $0x0  }
0x78: {  	[sflag:s4] =	ssyncadd.s32 $0xFFFFFE70  }
0x79: {  	[tilespmem:s22], [sflag:$0x1] =	stream.indirect.gather [hbm4b:s0+s15], $0x40, s21, s15, $0xb8;
	[tilespmem:$0xF660] =	vst v63  }
0x7a: {  	_ = 	snop  }
0x7b: {  	[tilespmem:s23], [sflag:$0x2] =	stream.indirect.gather [hbm4b:s8+s15], $0x1, s21, s15, $0xb8;
	[tilespmem:$0xF660] =	vst v63  }
0x7c: {  	_ =	swait.ge [sflag:s10], $0x6400  }
0x7d: {  	[sflag:s10] =	ssyncset.done $0x0  }
0x7e: {  	[sflag:s10] =	ssyncadd.s32 $0xFFFF9C00  }
0x7f: {  	[hbm4b:s24+s3] =	stream.linear.scatter [tilespmem:s22], [sflag:$0x3], $0x6400, $0x38;
	[tilespmem:$0xF660] =	vst v63  }
0x80: {  	_ =	swait.ge [sflag:s4], $0x6400  }
0x81: {  	[sflag:s4] =	ssyncset.done $0x0  }
0x82: {  	[sflag:s4] =	ssyncadd.s32 $0xFFFF9C00  }
0x83: {  	_ =	swait.ge [sflag:s12], $0x190  }
.Ltmp1:
0x84: {  	[sflag:s12] =	ssyncset.done $0x0;
	(pc) =	sbr.rel @p0 .LBB2_1-.Ltmp1, $4  }
0x85: {  	[sflag:s12] =	ssyncadd.s32 $0xFFFFFE70  }
0x86: {  	[hbm4b:s25+s3] =	stream.linear.scatter [tilespmem:s23], [sflag:$0x3], $0xC80, $0x38;
	[tilespmem:$0xF660] =	vst v63  }
0x87: {  	_ =	swait.ge [sflag:s4], $0xC80  }
0x88: {  	[sflag:s4] =	ssyncset.done $0x0  }
.LBB2_2:
0x89: {  	[sflag:s4] =	ssyncadd.s32 $0xFFFFF380  }
0x8a: {  	_ =	sfence.sel $0x180000  }
0x8b: {  	[bflag:$0x0] =	sbarrier.arrive $0xFFFF  }
0x8c: {  	p0 =	sne.s32 s1, $0x0;
	_ =	strace $0x90000047  }
0x8d: {  	s0 =	sadd.s32 @!p0 $0x100000, s2;
	[bflag:$0x2] =	sbarrier.arrive $0xFFFF  }
0x8e: {  	[sflag:s0] =	ssyncadd.tile.s32 @!p0 $0x1;
	_ =	shalt  }
.Lfunc_end2:
_tile_overlayer_lowered:
.L_overlay_start_2:
0x8f: {  	(tag) =	ssettag $0x2  }
0x90: {  	s0 =	rddreg [dreg:$0x0];
	s2 =	stileid.u32  }
0x91: {  	s1 =	rddreg [dreg:$0x1];
	p0 =	sne.s32 s2, $0x0  }
0x92: {  	s3 =	rddreg [dreg:$0x2];
	[bflag:$0x3] =	sbarrier.arrive $0xFFFF;
	s2 =	simm.s32 @!p0 $0x1C03  }
0x93: {  	[timem:s3], [sflag:s2] =	dma.local @!p0 [hbm:s0], s1  }
0x94: {  	s0 =	simm.s32 @!p0 $0x3  }
0x95: {  	_ =	swait.ge @!p0 [sflag:s0], s1  }
0x96: {  	s1 =	ssub.s32 @!p0 $0x0, s1;
	[sflag:s0] =	ssyncset.done @!p0 $0x0  }
0x97: {  	[sflag:s0] =	ssyncadd.s32 @!p0 s1  }
0x98: {  	[bflag:$0x3] =	sbarrier.arrive $0xFFFF  }
0x99: {  	_ =	shalt  }

</sc_bundles>
